<compile_context>
chip_gen: v7x
topology: tpu7x:2x2x1
jax: 0.10.2.dev20260603
libtpu: 0.0.44.dev20260713+nightly
codegen_flags: <defaults>
</compile_context>

<pallas_src>
import functools

import jax
import jax.numpy as jnp
from jax import lax
from jax.experimental import pallas as pl
from jax.experimental.pallas import tpu as pltpu
from jax.experimental.pallas import tpu_sc as plsc

_NC = 2
_NS = 16
_NW = _NC * _NS


def _sc_gather(user_idx, item_idx, user_table, item_table, B, D):
    b_per_w = B // _NW
    half = b_per_w // 2
    mesh = plsc.VectorSubcoreMesh(core_axis_name="c", subcore_axis_name="s")

    @functools.partial(
        pl.kernel,
        mesh=mesh,
        out_type=[
            jax.ShapeDtypeStruct((B, D), jnp.float32),
            jax.ShapeDtypeStruct((B, D), jnp.float32),
        ],
        scratch_types=[
            pltpu.SMEM((b_per_w,), jnp.int32),
            pltpu.SMEM((b_per_w,), jnp.int32),
            pltpu.VMEM_SHARED((_NS, b_per_w), jnp.int32),
            pltpu.VMEM_SHARED((_NS, b_per_w), jnp.int32),
            pltpu.SemaphoreType.DMA,
            pltpu.SemaphoreType.DMA,
            pltpu.SemaphoreType.DMA,
            pltpu.SemaphoreType.DMA,
        ],
    )
    def k(uidx_hbm, iidx_hbm, utab_hbm, itab_hbm, uout_hbm, iout_hbm,
          usmem, ismem, uidx_sp, iidx_sp, sem0, sem1, sem2, sem3):
        sid = lax.axis_index("s")
        wid = sid * _NC + lax.axis_index("c")
        base = wid * b_per_w
        pltpu.sync_copy(uidx_hbm.at[pl.ds(base, b_per_w)], uidx_sp.at[sid])
        pltpu.sync_copy(iidx_hbm.at[pl.ds(base, b_per_w)], iidx_sp.at[sid])
        pltpu.sync_copy(uidx_sp.at[sid], usmem)
        pltpu.sync_copy(iidx_sp.at[sid], ismem)

        def fire(kk, carry):
            k0 = kk * 2
            k1 = k0 + 1
            for k_, us, is_ in ((k0, sem0, sem1), (k1, sem2, sem3)):
                ur = usmem[k_]
                ir = ismem[k_]
                row = base + k_
                pltpu.make_async_copy(
                    utab_hbm.at[ur >> 3, pl.ds(ur & 7, 1), :],
                    uout_hbm.at[pl.ds(row, 1), :], us).start()
                pltpu.make_async_copy(
                    itab_hbm.at[ir >> 3, pl.ds(ir & 7, 1), :],
                    iout_hbm.at[pl.ds(row, 1), :], is_).start()
            return carry

        lax.fori_loop(0, half, fire, 0)
        pltpu.make_async_copy(
            uout_hbm.at[pl.ds(0, half)],
            uout_hbm.at[pl.ds(base, half)], sem0).wait()
        pltpu.make_async_copy(
            iout_hbm.at[pl.ds(0, half)],
            iout_hbm.at[pl.ds(base, half)], sem1).wait()
        pltpu.make_async_copy(
            uout_hbm.at[pl.ds(0, half)],
            uout_hbm.at[pl.ds(base, half)], sem2).wait()
        pltpu.make_async_copy(
            iout_hbm.at[pl.ds(0, half)],
            iout_hbm.at[pl.ds(base, half)], sem3).wait()

    return k(user_idx, item_idx, user_table, item_table)


def _mlp_body(u_ref, i_ref, w1_ref, b1_ref, w2_ref, b2_ref,
              pw1_ref, pb1_ref, pw2_ref, pb2_ref, o_ref):
    x = jnp.concatenate([u_ref[...], i_ref[...]], axis=1)
    h = jnp.dot(x, w1_ref[...], preferred_element_type=jnp.float32)
    h = jnp.maximum(h + b1_ref[...], 0.0)
    logits = jnp.sum(h * w2_ref[...], axis=1, keepdims=True) + b2_ref[0, 0]
    a = jax.nn.sigmoid(logits)
    xw = x * a
    p = jnp.dot(xw, pw1_ref[...], preferred_element_type=jnp.float32)
    p = jnp.maximum(p + pb1_ref[...], 0.0)
    o_ref[...] = jnp.sum(p * pw2_ref[...], axis=1) + pb2_ref[0, 0]


def _tc_mlp(u, it, att_w1, att_b1, att_w2, att_b2,
            pred_w1, pred_b1, pred_w2, pred_b2):
    B, D = u.shape
    BLK = 2048
    full = lambda s: pl.BlockSpec(s, lambda i: (0,) * len(s))
    return pl.pallas_call(
        _mlp_body,
        grid=(B // BLK,),
        in_specs=[
            pl.BlockSpec((BLK, D), lambda i: (i, 0)),
            pl.BlockSpec((BLK, D), lambda i: (i, 0)),
            full(att_w1.shape),
            full(att_b1.shape),
            full(att_w2.shape),
            full(att_b2.shape),
            full(pred_w1.shape),
            full(pred_b1.shape),
            full(pred_w2.shape),
            full(pred_b2.shape),
        ],
        out_specs=pl.BlockSpec((BLK,), lambda i: (i,)),
        out_shape=jax.ShapeDtypeStruct((B,), jnp.float32),
    )(u, it, att_w1, att_b1, att_w2, att_b2,
      pred_w1, pred_b1, pred_w2, pred_b2)


def kernel(user_indices, item_indices, user_table, item_table,
           att_w1, att_b1, att_w2, att_b2,
           pred_w1, pred_b1, pred_w2, pred_b2):
    B = user_indices.shape[0]
    N, D = user_table.shape
    uidx = user_indices.astype(jnp.int32)
    iidx = item_indices.astype(jnp.int32)
    u, it = _sc_gather(
        uidx, iidx,
        user_table.reshape(N // 8, 8, D),
        item_table.reshape(N // 8, 8, D),
        B, D)
    return _tc_mlp(
        u, it,
        att_w1, att_b1.reshape(1, -1),
        att_w2.reshape(1, -1), att_b2.reshape(1, 1),
        pred_w1, pred_b1.reshape(1, -1),
        pred_w2.reshape(1, -1), pred_b2.reshape(1, 1),
    )

# --- scband reference (transcript-rebuilt; emitter-appended) ---
"""Pipeline reference for scband-cfuic-a-85813446574083 (READ-ONLY COPY).

The authoritative reference and input builder live on the scoring server;
editing this copy changes nothing except your own understanding.
"""

import jax, jax.numpy as jnp
import numpy as np

NUM_USERS = 1000000
NUM_ITEMS = 1000000
EMB = 64
ATT = 32
BATCH = 16384

def setup_inputs(seed: int = 0) -> dict:
    key = jax.random.key(seed)
    ks = jax.random.split(key, 12)
    user_indices = jax.random.randint(ks[0], (BATCH,), 0, NUM_USERS, dtype=jnp.int64 if jax.config.jax_enable_x64 else jnp.int32)
    item_indices = jax.random.randint(ks[1], (BATCH,), 0, NUM_ITEMS, dtype=jnp.int64 if jax.config.jax_enable_x64 else jnp.int32)
    user_table = jax.random.normal(ks[2], (NUM_USERS, EMB), dtype=jnp.float32) * 0.01
    item_table = jax.random.normal(ks[3], (NUM_ITEMS, EMB), dtype=jnp.float32) * 0.01
    # attention_layer: Linear(2*EMB -> ATT), ReLU, Linear(ATT -> 1), Sigmoid
    att_w1 = jax.random.normal(ks[4], (2 * EMB, ATT), dtype=jnp.float32) * (2.0 / np.sqrt(2 * EMB + ATT))
    att_b1 = jnp.zeros((ATT,), dtype=jnp.float32)
    att_w2 = jax.random.normal(ks[5], (ATT, 1), dtype=jnp.float32) * (2.0 / np.sqrt(ATT + 1))
    att_b2 = jnp.zeros((1,), dtype=jnp.float32)
    # prediction_layer: Linear(2*EMB -> EMB), ReLU, Dropout(eval no-op), Linear(EMB -> 1)
    pred_w1 = jax.random.normal(ks[6], (2 * EMB, EMB), dtype=jnp.float32) * (2.0 / np.sqrt(2 * EMB + EMB))
    pred_b1 = jnp.zeros((EMB,), dtype=jnp.float32)
    pred_w2 = jax.random.normal(ks[7], (EMB, 1), dtype=jnp.float32) * (2.0 / np.sqrt(EMB + 1))
    pred_b2 = jnp.zeros((1,), dtype=jnp.float32)
    return {
        "user_indices": user_indices,
        "item_indices": item_indices,
        "user_table": user_table,
        "item_table": item_table,
        "att_w1": att_w1, "att_b1": att_b1,
        "att_w2": att_w2, "att_b2": att_b2,
        "pred_w1": pred_w1, "pred_b1": pred_b1,
        "pred_w2": pred_w2, "pred_b2": pred_b2,
    }

def reference(user_indices, item_indices, user_table, item_table,
              att_w1, att_b1, att_w2, att_b2,
              pred_w1, pred_b1, pred_w2, pred_b2):
    user_emb = jnp.take(user_table, user_indices, axis=0)
    item_emb = jnp.take(item_table, item_indices, axis=0)
    concat_emb = jnp.concatenate([user_emb, item_emb], axis=1)
    h = jax.nn.relu(concat_emb @ att_w1 + att_b1)
    attention_weights = jax.nn.sigmoid(h @ att_w2 + att_b2)  # [B, 1]
    weighted_user_emb = user_emb * attention_weights
    weighted_item_emb = item_emb * attention_weights
    weighted_concat = jnp.concatenate([weighted_user_emb, weighted_item_emb], axis=1)
    p = jax.nn.relu(weighted_concat @ pred_w1 + pred_b1)
    # dropout is a no-op in eval mode
    prediction = p @ pred_w2 + pred_b2
    return jnp.squeeze(prediction, axis=-1)

if __name__ == "__main__":
    import jax
    _d = setup_inputs()
    print(jax.jit(kernel)(*tuple(_d.values())))

</pallas_src>

<mosaic_0001>
#map = affine_map<(d0, d1) -> (0)>
#map1 = affine_map<(d0, d1) -> (0, 0, 0)>
#map2 = affine_map<(d0, d1) -> (0, 0)>
module attributes {stable_mosaic.version = 14 : i64} {
  func.func @k(%arg0: i32, %arg1: i32, %arg2: memref<16384xi32, #tpu.memory_space<hbm>>, %arg3: memref<16384xi32, #tpu.memory_space<hbm>>, %arg4: memref<125000x8x64xf32, #tpu.memory_space<hbm>>, %arg5: memref<125000x8x64xf32, #tpu.memory_space<hbm>>, %arg6: memref<16384x64xf32, #tpu.memory_space<hbm>>, %arg7: memref<16384x64xf32, #tpu.memory_space<hbm>>, %arg8: memref<512xi32, #tpu.memory_space<smem>>, %arg9: memref<512xi32, #tpu.memory_space<smem>>, %arg10: memref<16x512xi32, #tpu.memory_space<vmem_shared>>, %arg11: memref<16x512xi32, #tpu.memory_space<vmem_shared>>, %arg12: memref<!tpu.dma_semaphore, #tpu.memory_space<semaphore_mem>>, %arg13: memref<!tpu.dma_semaphore, #tpu.memory_space<semaphore_mem>>, %arg14: memref<!tpu.dma_semaphore, #tpu.memory_space<semaphore_mem>>, %arg15: memref<!tpu.dma_semaphore, #tpu.memory_space<semaphore_mem>>) attributes {dimension_semantics = [#tpu.dimension_semantics<core_parallel>, #tpu.dimension_semantics<subcore_parallel>], iteration_bounds = array<i64: 2, 16>, scalar_prefetch = 0 : i64, scratch_operands = 8 : i64, tpu.core_type = #tpu.core_type<sc_vector_subcore>, window_params = [{transform_indices = #map}, {transform_indices = #map}, {transform_indices = #map1}, {transform_indices = #map1}, {transform_indices = #map2}, {transform_indices = #map2}]} {
    %mul3A = arith.constant 2 : i32
    %mul3A_0 = arith.muli %arg1, %mul3A : i32
    %add3A = arith.addi %mul3A_0, %arg0 : i32
    %mul3A_1 = arith.constant 512 : i32
    %mul3A_2 = arith.muli %add3A, %mul3A_1 : i32
    "tpu.region"() ({
      %run_scoped3A = tpu.sem_alloc : memref<!tpu.dma_semaphore, #tpu.memory_space<semaphore_mem>>
      %dma_start3A = arith.constant 0 : i32
      %dma_start3A_27 = tpu.memref_slice %arg10[%arg1, %dma_start3A] : memref<16x512xi32, #tpu.memory_space<vmem_shared>> -> memref<1x512xi32, #tpu.memory_space<vmem_shared>>
      %dma_start3A_28 = tpu.memref_squeeze %dma_start3A_27 : memref<1x512xi32, #tpu.memory_space<vmem_shared>> -> memref<512xi32, #tpu.memory_space<vmem_shared>>
      %dma_start3A_29 = tpu.memref_slice %arg2[%mul3A_2] : memref<16384xi32, #tpu.memory_space<hbm>> -> memref<512xi32, #tpu.memory_space<hbm>>
      tpu.enqueue_dma source(%dma_start3A_29 : memref<512xi32, #tpu.memory_space<hbm>>) target(%dma_start3A_28 : memref<512xi32, #tpu.memory_space<vmem_shared>>) target_semaphore(%run_scoped3A : memref<!tpu.dma_semaphore, #tpu.memory_space<semaphore_mem>>)
      %dma_wait3A_30 = arith.constant 0 : i32
      %dma_wait3A_31 = tpu.memref_slice %arg10[%arg1, %dma_wait3A_30] : memref<16x512xi32, #tpu.memory_space<vmem_shared>> -> memref<1x512xi32, #tpu.memory_space<vmem_shared>>
      %dma_wait3A_32 = tpu.memref_squeeze %dma_wait3A_31 : memref<1x512xi32, #tpu.memory_space<vmem_shared>> -> memref<512xi32, #tpu.memory_space<vmem_shared>>
      %dma_wait3A_33 = tpu.memref_slice %arg2[%mul3A_2] : memref<16384xi32, #tpu.memory_space<hbm>> -> memref<512xi32, #tpu.memory_space<hbm>>
      tpu.wait_dma2 semaphore(%run_scoped3A : memref<!tpu.dma_semaphore, #tpu.memory_space<semaphore_mem>>) src(%dma_wait3A_33 : memref<512xi32, #tpu.memory_space<hbm>>) dst(%dma_wait3A_32 : memref<512xi32, #tpu.memory_space<vmem_shared>>)
      tpu.yield
    }) : () -> ()
    "tpu.region"() ({
      %run_scoped3A = tpu.sem_alloc : memref<!tpu.dma_semaphore, #tpu.memory_space<semaphore_mem>>
      %dma_start3A = arith.constant 0 : i32
      %dma_start3A_27 = tpu.memref_slice %arg11[%arg1, %dma_start3A] : memref<16x512xi32, #tpu.memory_space<vmem_shared>> -> memref<1x512xi32, #tpu.memory_space<vmem_shared>>
      %dma_start3A_28 = tpu.memref_squeeze %dma_start3A_27 : memref<1x512xi32, #tpu.memory_space<vmem_shared>> -> memref<512xi32, #tpu.memory_space<vmem_shared>>
      %dma_start3A_29 = tpu.memref_slice %arg3[%mul3A_2] : memref<16384xi32, #tpu.memory_space<hbm>> -> memref<512xi32, #tpu.memory_space<hbm>>
      tpu.enqueue_dma source(%dma_start3A_29 : memref<512xi32, #tpu.memory_space<hbm>>) target(%dma_start3A_28 : memref<512xi32, #tpu.memory_space<vmem_shared>>) target_semaphore(%run_scoped3A : memref<!tpu.dma_semaphore, #tpu.memory_space<semaphore_mem>>)
      %dma_wait3A_30 = arith.constant 0 : i32
      %dma_wait3A_31 = tpu.memref_slice %arg11[%arg1, %dma_wait3A_30] : memref<16x512xi32, #tpu.memory_space<vmem_shared>> -> memref<1x512xi32, #tpu.memory_space<vmem_shared>>
      %dma_wait3A_32 = tpu.memref_squeeze %dma_wait3A_31 : memref<1x512xi32, #tpu.memory_space<vmem_shared>> -> memref<512xi32, #tpu.memory_space<vmem_shared>>
      %dma_wait3A_33 = tpu.memref_slice %arg3[%mul3A_2] : memref<16384xi32, #tpu.memory_space<hbm>> -> memref<512xi32, #tpu.memory_space<hbm>>
      tpu.wait_dma2 semaphore(%run_scoped3A : memref<!tpu.dma_semaphore, #tpu.memory_space<semaphore_mem>>) src(%dma_wait3A_33 : memref<512xi32, #tpu.memory_space<hbm>>) dst(%dma_wait3A_32 : memref<512xi32, #tpu.memory_space<vmem_shared>>)
      tpu.yield
    }) : () -> ()
    "tpu.region"() ({
      %run_scoped3A = tpu.sem_alloc : memref<!tpu.dma_semaphore, #tpu.memory_space<semaphore_mem>>
      %dma_start3A = arith.constant 0 : i32
      %dma_start3A_27 = tpu.memref_slice %arg10[%arg1, %dma_start3A] : memref<16x512xi32, #tpu.memory_space<vmem_shared>> -> memref<1x512xi32, #tpu.memory_space<vmem_shared>>
      %dma_start3A_28 = tpu.memref_squeeze %dma_start3A_27 : memref<1x512xi32, #tpu.memory_space<vmem_shared>> -> memref<512xi32, #tpu.memory_space<vmem_shared>>
      tpu.enqueue_dma source(%dma_start3A_28 : memref<512xi32, #tpu.memory_space<vmem_shared>>) target(%arg8 : memref<512xi32, #tpu.memory_space<smem>>) target_semaphore(%run_scoped3A : memref<!tpu.dma_semaphore, #tpu.memory_space<semaphore_mem>>)
      %dma_wait3A_29 = arith.constant 0 : i32
      %dma_wait3A_30 = tpu.memref_slice %arg10[%arg1, %dma_wait3A_29] : memref<16x512xi32, #tpu.memory_space<vmem_shared>> -> memref<1x512xi32, #tpu.memory_space<vmem_shared>>
      %dma_wait3A_31 = tpu.memref_squeeze %dma_wait3A_30 : memref<1x512xi32, #tpu.memory_space<vmem_shared>> -> memref<512xi32, #tpu.memory_space<vmem_shared>>
      tpu.wait_dma2 semaphore(%run_scoped3A : memref<!tpu.dma_semaphore, #tpu.memory_space<semaphore_mem>>) src(%dma_wait3A_31 : memref<512xi32, #tpu.memory_space<vmem_shared>>) dst(%arg8 : memref<512xi32, #tpu.memory_space<smem>>)
      tpu.yield
    }) : () -> ()
    "tpu.region"() ({
      %run_scoped3A = tpu.sem_alloc : memref<!tpu.dma_semaphore, #tpu.memory_space<semaphore_mem>>
      %dma_start3A = arith.constant 0 : i32
      %dma_start3A_27 = tpu.memref_slice %arg11[%arg1, %dma_start3A] : memref<16x512xi32, #tpu.memory_space<vmem_shared>> -> memref<1x512xi32, #tpu.memory_space<vmem_shared>>
      %dma_start3A_28 = tpu.memref_squeeze %dma_start3A_27 : memref<1x512xi32, #tpu.memory_space<vmem_shared>> -> memref<512xi32, #tpu.memory_space<vmem_shared>>
      tpu.enqueue_dma source(%dma_start3A_28 : memref<512xi32, #tpu.memory_space<vmem_shared>>) target(%arg9 : memref<512xi32, #tpu.memory_space<smem>>) target_semaphore(%run_scoped3A : memref<!tpu.dma_semaphore, #tpu.memory_space<semaphore_mem>>)
      %dma_wait3A_29 = arith.constant 0 : i32
      %dma_wait3A_30 = tpu.memref_slice %arg11[%arg1, %dma_wait3A_29] : memref<16x512xi32, #tpu.memory_space<vmem_shared>> -> memref<1x512xi32, #tpu.memory_space<vmem_shared>>
      %dma_wait3A_31 = tpu.memref_squeeze %dma_wait3A_30 : memref<1x512xi32, #tpu.memory_space<vmem_shared>> -> memref<512xi32, #tpu.memory_space<vmem_shared>>
      tpu.wait_dma2 semaphore(%run_scoped3A : memref<!tpu.dma_semaphore, #tpu.memory_space<semaphore_mem>>) src(%dma_wait3A_31 : memref<512xi32, #tpu.memory_space<vmem_shared>>) dst(%arg9 : memref<512xi32, #tpu.memory_space<smem>>)
      tpu.yield
    }) : () -> ()
    %scan3A = arith.constant 0 : i32
    %scan3A_3 = arith.constant 0 : i32
    %scan3A_4 = arith.constant 256 : i32
    %scan3A_5 = arith.addi %scan3A_3, %scan3A_4 : i32
    %scan3A_6 = arith.constant 1 : i32
    scf.for %scan3A_27 = %scan3A_3 to %scan3A_5 step %scan3A_6  : i32 {
      %mul3A_28 = arith.constant 2 : i32
      %mul3A_29 = arith.muli %scan3A_27, %mul3A_28 : i32
      %add3A_30 = arith.constant 1 : i32
      %add3A_31 = arith.addi %mul3A_29, %add3A_30 : i32
      %get3A = arith.index_cast %mul3A_29 : i32 to index
      %get3A_32 = memref.load %arg8[%get3A] : memref<512xi32, #tpu.memory_space<smem>>
      %get3A_33 = arith.index_cast %mul3A_29 : i32 to index
      %get3A_34 = memref.load %arg9[%get3A_33] : memref<512xi32, #tpu.memory_space<smem>>
      %add3A_35 = arith.addi %mul3A_2, %mul3A_29 : i32
      %shift_right_arithmetic3A = arith.constant 3 : i32
      %shift_right_arithmetic3A_36 = arith.shrsi %get3A_32, %shift_right_arithmetic3A : i32
      %and3A = arith.constant 7 : i32
      %and3A_37 = arith.andi %get3A_32, %and3A : i32
      %dma_start3A = arith.constant 0 : i32
      %dma_start3A_38 = tpu.memref_slice %arg6[%add3A_35, %dma_start3A] : memref<16384x64xf32, #tpu.memory_space<hbm>> -> memref<1x64xf32, #tpu.memory_space<hbm>>
      %dma_start3A_39 = arith.constant 0 : i32
      %dma_start3A_40 = tpu.memref_slice %arg4[%shift_right_arithmetic3A_36, %and3A_37, %dma_start3A_39] : memref<125000x8x64xf32, #tpu.memory_space<hbm>> -> memref<1x1x64xf32, #tpu.memory_space<hbm>>
      %dma_start3A_41 = tpu.memref_squeeze %dma_start3A_40 : memref<1x1x64xf32, #tpu.memory_space<hbm>> -> memref<1x64xf32, #tpu.memory_space<hbm>>
      tpu.enqueue_dma source(%dma_start3A_41 : memref<1x64xf32, #tpu.memory_space<hbm>>) target(%dma_start3A_38 : memref<1x64xf32, #tpu.memory_space<hbm>>) target_semaphore(%arg12 : memref<!tpu.dma_semaphore, #tpu.memory_space<semaphore_mem>>)
      %shift_right_arithmetic3A_42 = arith.constant 3 : i32
      %shift_right_arithmetic3A_43 = arith.shrsi %get3A_34, %shift_right_arithmetic3A_42 : i32
      %and3A_44 = arith.constant 7 : i32
      %and3A_45 = arith.andi %get3A_34, %and3A_44 : i32
      %dma_start3A_46 = arith.constant 0 : i32
      %dma_start3A_47 = tpu.memref_slice %arg7[%add3A_35, %dma_start3A_46] : memref<16384x64xf32, #tpu.memory_space<hbm>> -> memref<1x64xf32, #tpu.memory_space<hbm>>
      %dma_start3A_48 = arith.constant 0 : i32
      %dma_start3A_49 = tpu.memref_slice %arg5[%shift_right_arithmetic3A_43, %and3A_45, %dma_start3A_48] : memref<125000x8x64xf32, #tpu.memory_space<hbm>> -> memref<1x1x64xf32, #tpu.memory_space<hbm>>
      %dma_start3A_50 = tpu.memref_squeeze %dma_start3A_49 : memref<1x1x64xf32, #tpu.memory_space<hbm>> -> memref<1x64xf32, #tpu.memory_space<hbm>>
      tpu.enqueue_dma source(%dma_start3A_50 : memref<1x64xf32, #tpu.memory_space<hbm>>) target(%dma_start3A_47 : memref<1x64xf32, #tpu.memory_space<hbm>>) target_semaphore(%arg13 : memref<!tpu.dma_semaphore, #tpu.memory_space<semaphore_mem>>)
      %get3A_51 = arith.index_cast %add3A_31 : i32 to index
      %get3A_52 = memref.load %arg8[%get3A_51] : memref<512xi32, #tpu.memory_space<smem>>
      %get3A_53 = arith.index_cast %add3A_31 : i32 to index
      %get3A_54 = memref.load %arg9[%get3A_53] : memref<512xi32, #tpu.memory_space<smem>>
      %add3A_55 = arith.addi %mul3A_2, %add3A_31 : i32
      %shift_right_arithmetic3A_56 = arith.constant 3 : i32
      %shift_right_arithmetic3A_57 = arith.shrsi %get3A_52, %shift_right_arithmetic3A_56 : i32
      %and3A_58 = arith.constant 7 : i32
      %and3A_59 = arith.andi %get3A_52, %and3A_58 : i32
      %dma_start3A_60 = arith.constant 0 : i32
      %dma_start3A_61 = tpu.memref_slice %arg6[%add3A_55, %dma_start3A_60] : memref<16384x64xf32, #tpu.memory_space<hbm>> -> memref<1x64xf32, #tpu.memory_space<hbm>>
      %dma_start3A_62 = arith.constant 0 : i32
      %dma_start3A_63 = tpu.memref_slice %arg4[%shift_right_arithmetic3A_57, %and3A_59, %dma_start3A_62] : memref<125000x8x64xf32, #tpu.memory_space<hbm>> -> memref<1x1x64xf32, #tpu.memory_space<hbm>>
      %dma_start3A_64 = tpu.memref_squeeze %dma_start3A_63 : memref<1x1x64xf32, #tpu.memory_space<hbm>> -> memref<1x64xf32, #tpu.memory_space<hbm>>
      tpu.enqueue_dma source(%dma_start3A_64 : memref<1x64xf32, #tpu.memory_space<hbm>>) target(%dma_start3A_61 : memref<1x64xf32, #tpu.memory_space<hbm>>) target_semaphore(%arg14 : memref<!tpu.dma_semaphore, #tpu.memory_space<semaphore_mem>>)
      %shift_right_arithmetic3A_65 = arith.constant 3 : i32
      %shift_right_arithmetic3A_66 = arith.shrsi %get3A_54, %shift_right_arithmetic3A_65 : i32
      %and3A_67 = arith.constant 7 : i32
      %and3A_68 = arith.andi %get3A_54, %and3A_67 : i32
      %dma_start3A_69 = arith.constant 0 : i32
      %dma_start3A_70 = tpu.memref_slice %arg7[%add3A_55, %dma_start3A_69] : memref<16384x64xf32, #tpu.memory_space<hbm>> -> memref<1x64xf32, #tpu.memory_space<hbm>>
      %dma_start3A_71 = arith.constant 0 : i32
      %dma_start3A_72 = tpu.memref_slice %arg5[%shift_right_arithmetic3A_66, %and3A_68, %dma_start3A_71] : memref<125000x8x64xf32, #tpu.memory_space<hbm>> -> memref<1x1x64xf32, #tpu.memory_space<hbm>>
      %dma_start3A_73 = tpu.memref_squeeze %dma_start3A_72 : memref<1x1x64xf32, #tpu.memory_space<hbm>> -> memref<1x64xf32, #tpu.memory_space<hbm>>
      tpu.enqueue_dma source(%dma_start3A_73 : memref<1x64xf32, #tpu.memory_space<hbm>>) target(%dma_start3A_70 : memref<1x64xf32, #tpu.memory_space<hbm>>) target_semaphore(%arg15 : memref<!tpu.dma_semaphore, #tpu.memory_space<semaphore_mem>>)
    }
    %scan3A_7 = arith.constant 256 : i32
    %dma_wait3A = arith.constant 0 : i32
    %dma_wait3A_8 = tpu.memref_slice %arg6[%mul3A_2, %dma_wait3A] : memref<16384x64xf32, #tpu.memory_space<hbm>> -> memref<256x64xf32, #tpu.memory_space<hbm>>
    %dma_wait3A_9 = arith.constant 0 : i32
    %dma_wait3A_10 = arith.constant 0 : i32
    %dma_wait3A_11 = tpu.memref_slice %arg6[%dma_wait3A_9, %dma_wait3A_10] : memref<16384x64xf32, #tpu.memory_space<hbm>> -> memref<256x64xf32, #tpu.memory_space<hbm>>
    tpu.wait_dma2 semaphore(%arg12 : memref<!tpu.dma_semaphore, #tpu.memory_space<semaphore_mem>>) src(%dma_wait3A_11 : memref<256x64xf32, #tpu.memory_space<hbm>>) dst(%dma_wait3A_8 : memref<256x64xf32, #tpu.memory_space<hbm>>)
    %dma_wait3A_12 = arith.constant 0 : i32
    %dma_wait3A_13 = tpu.memref_slice %arg7[%mul3A_2, %dma_wait3A_12] : memref<16384x64xf32, #tpu.memory_space<hbm>> -> memref<256x64xf32, #tpu.memory_space<hbm>>
    %dma_wait3A_14 = arith.constant 0 : i32
    %dma_wait3A_15 = arith.constant 0 : i32
    %dma_wait3A_16 = tpu.memref_slice %arg7[%dma_wait3A_14, %dma_wait3A_15] : memref<16384x64xf32, #tpu.memory_space<hbm>> -> memref<256x64xf32, #tpu.memory_space<hbm>>
    tpu.wait_dma2 semaphore(%arg13 : memref<!tpu.dma_semaphore, #tpu.memory_space<semaphore_mem>>) src(%dma_wait3A_16 : memref<256x64xf32, #tpu.memory_space<hbm>>) dst(%dma_wait3A_13 : memref<256x64xf32, #tpu.memory_space<hbm>>)
    %dma_wait3A_17 = arith.constant 0 : i32
    %dma_wait3A_18 = tpu.memref_slice %arg6[%mul3A_2, %dma_wait3A_17] : memref<16384x64xf32, #tpu.memory_space<hbm>> -> memref<256x64xf32, #tpu.memory_space<hbm>>
    %dma_wait3A_19 = arith.constant 0 : i32
    %dma_wait3A_20 = arith.constant 0 : i32
    %dma_wait3A_21 = tpu.memref_slice %arg6[%dma_wait3A_19, %dma_wait3A_20] : memref<16384x64xf32, #tpu.memory_space<hbm>> -> memref<256x64xf32, #tpu.memory_space<hbm>>
    tpu.wait_dma2 semaphore(%arg14 : memref<!tpu.dma_semaphore, #tpu.memory_space<semaphore_mem>>) src(%dma_wait3A_21 : memref<256x64xf32, #tpu.memory_space<hbm>>) dst(%dma_wait3A_18 : memref<256x64xf32, #tpu.memory_space<hbm>>)
    %dma_wait3A_22 = arith.constant 0 : i32
    %dma_wait3A_23 = tpu.memref_slice %arg7[%mul3A_2, %dma_wait3A_22] : memref<16384x64xf32, #tpu.memory_space<hbm>> -> memref<256x64xf32, #tpu.memory_space<hbm>>
    %dma_wait3A_24 = arith.constant 0 : i32
    %dma_wait3A_25 = arith.constant 0 : i32
    %dma_wait3A_26 = tpu.memref_slice %arg7[%dma_wait3A_24, %dma_wait3A_25] : memref<16384x64xf32, #tpu.memory_space<hbm>> -> memref<256x64xf32, #tpu.memory_space<hbm>>
    tpu.wait_dma2 semaphore(%arg15 : memref<!tpu.dma_semaphore, #tpu.memory_space<semaphore_mem>>) src(%dma_wait3A_26 : memref<256x64xf32, #tpu.memory_space<hbm>>) dst(%dma_wait3A_23 : memref<256x64xf32, #tpu.memory_space<hbm>>)
    return
  }
}

module attributes {stable_mosaic.version = 14 : i64} {
  func.func @_mlp_body(%arg0: i32, %arg1: memref<2048x64xf32, #tpu.memory_space<vmem>>, %arg2: memref<2048x64xf32, #tpu.memory_space<vmem>>, %arg3: memref<128x32xf32, #tpu.memory_space<vmem>>, %arg4: memref<1x32xf32, #tpu.memory_space<vmem>>, %arg5: memref<1x32xf32, #tpu.memory_space<vmem>>, %arg6: memref<1x1xf32, #tpu.memory_space<vmem>>, %arg7: memref<128x64xf32, #tpu.memory_space<vmem>>, %arg8: memref<1x64xf32, #tpu.memory_space<vmem>>, %arg9: memref<1x64xf32, #tpu.memory_space<vmem>>, %arg10: memref<1x1xf32, #tpu.memory_space<vmem>>, %arg11: memref<2048xf32, #tpu.memory_space<vmem>>) attributes {dimension_semantics = [#tpu.dimension_semantics<arbitrary>], iteration_bounds = array<i64: 8>, scalar_prefetch = 0 : i64, scratch_operands = 0 : i64, tpu.core_type = #tpu.core_type<tc>, window_params = [{transform_indices = @transform_0, window_bounds = array<i64: 2048, 64>}, {transform_indices = @transform_1, window_bounds = array<i64: 2048, 64>}, {pipeline_mode = #tpu.pipeline_mode<synchronous>, transform_indices = @transform_2, window_bounds = array<i64: 128, 32>}, {pipeline_mode = #tpu.pipeline_mode<synchronous>, transform_indices = @transform_3, window_bounds = array<i64: 1, 32>}, {pipeline_mode = #tpu.pipeline_mode<synchronous>, transform_indices = @transform_4, window_bounds = array<i64: 1, 32>}, {pipeline_mode = #tpu.pipeline_mode<synchronous>, transform_indices = @transform_5, window_bounds = array<i64: 1, 1>}, {pipeline_mode = #tpu.pipeline_mode<synchronous>, transform_indices = @transform_6, window_bounds = array<i64: 128, 64>}, {pipeline_mode = #tpu.pipeline_mode<synchronous>, transform_indices = @transform_7, window_bounds = array<i64: 1, 64>}, {pipeline_mode = #tpu.pipeline_mode<synchronous>, transform_indices = @transform_8, window_bounds = array<i64: 1, 64>}, {pipeline_mode = #tpu.pipeline_mode<synchronous>, transform_indices = @transform_9, window_bounds = array<i64: 1, 1>}, {transform_indices = @transform_10, window_bounds = array<i64: 2048>}]} {
    %get3A = arith.constant 0 : index
    %get3A_0 = arith.constant 0 : index
    %get3A_1 = vector.load %arg1[%get3A, %get3A_0] : memref<2048x64xf32, #tpu.memory_space<vmem>>, vector<2048x64xf32>
    %get3A_2 = arith.constant 0 : index
    %get3A_3 = arith.constant 0 : index
    %get3A_4 = vector.load %arg2[%get3A_2, %get3A_3] : memref<2048x64xf32, #tpu.memory_space<vmem>>, vector<2048x64xf32>
    %concatenate3A = tpu.concatenate %get3A_1, %get3A_4 in 1 : vector<2048x64xf32>, vector<2048x64xf32> -> vector<2048x128xf32>
    %get3A_5 = arith.constant 0 : index
    %get3A_6 = arith.constant 0 : index
    %get3A_7 = vector.load %arg3[%get3A_5, %get3A_6] : memref<128x32xf32, #tpu.memory_space<vmem>>, vector<128x32xf32>
    %dot_general3A = arith.constant dense<0.000000e+00> : vector<2048x32xf32>
    %dot_general3A_8 = tpu.matmul %concatenate3A, %get3A_7, %dot_general3A {dimension_numbers = #tpu.dot_dimension_numbers<[1], [0], [0], [1], [0, 0, 1, 1], [], []>, transpose_lhs_hint = false} : vector<2048x128xf32>, vector<128x32xf32>, vector<2048x32xf32> -> vector<2048x32xf32>
    %get3A_9 = arith.constant 0 : index
    %get3A_10 = arith.constant 0 : index
    %get3A_11 = vector.load %arg4[%get3A_9, %get3A_10] : memref<1x32xf32, #tpu.memory_space<vmem>>, vector<1x32xf32>
    %add3A = vector.broadcast %get3A_11 : vector<1x32xf32> to vector<2048x32xf32>
    %add3A_12 = arith.addf %dot_general3A_8, %add3A : vector<2048x32xf32>
    %max3A = arith.constant 0.000000e+00 : f32
    %max3A_13 = vector.broadcast %max3A : f32 to vector<2048x32xf32>
    %max3A_14 = arith.maximumf %add3A_12, %max3A_13 : vector<2048x32xf32>
    %get3A_15 = arith.constant 0 : index
    %get3A_16 = arith.constant 0 : index
    %get3A_17 = vector.load %arg5[%get3A_15, %get3A_16] : memref<1x32xf32, #tpu.memory_space<vmem>>, vector<1x32xf32>
    %mul3A = vector.broadcast %get3A_17 : vector<1x32xf32> to vector<2048x32xf32>
    %mul3A_18 = arith.mulf %max3A_14, %mul3A : vector<2048x32xf32>
    %reduce_sum3A = arith.constant dense<0.000000e+00> : vector<2048xf32>
    %reduce_sum3A_19 = vector.multi_reduction <add>, %mul3A_18, %reduce_sum3A [1] : vector<2048x32xf32> to vector<2048xf32>
    %broadcast_in_dim3A = vector.shape_cast %reduce_sum3A_19 : vector<2048xf32> to vector<2048x1xf32>
    %get3A_20 = arith.constant 0 : index
    %get3A_21 = arith.constant 0 : index
    %get3A_22 = vector.load %arg6[%get3A_20, %get3A_21] : memref<1x1xf32, #tpu.memory_space<vmem>>, vector<1x1xf32>
    %get3A_23 = vector.extract %get3A_22[0, 0] : f32 from vector<1x1xf32>
    %add3A_24 = vector.broadcast %get3A_23 : f32 to vector<2048x1xf32>
    %add3A_25 = arith.addf %broadcast_in_dim3A, %add3A_24 : vector<2048x1xf32>
    %logistic3A = arith.negf %add3A_25 : vector<2048x1xf32>
    %logistic3A_26 = math.exp %logistic3A : vector<2048x1xf32>
    %logistic3A_27 = arith.constant 1.000000e+00 : f32
    %logistic3A_28 = vector.broadcast %logistic3A_27 : f32 to vector<2048x1xf32>
    %logistic3A_29 = arith.addf %logistic3A_28, %logistic3A_26 : vector<2048x1xf32>
    %logistic3A_30 = arith.divf %logistic3A_28, %logistic3A_29 : vector<2048x1xf32>
    %mul3A_31 = vector.broadcast %logistic3A_30 : vector<2048x1xf32> to vector<2048x128xf32>
    %mul3A_32 = arith.mulf %concatenate3A, %mul3A_31 : vector<2048x128xf32>
    %get3A_33 = arith.constant 0 : index
    %get3A_34 = arith.constant 0 : index
    %get3A_35 = vector.load %arg7[%get3A_33, %get3A_34] : memref<128x64xf32, #tpu.memory_space<vmem>>, vector<128x64xf32>
    %dot_general3A_36 = arith.constant dense<0.000000e+00> : vector<2048x64xf32>
    %dot_general3A_37 = tpu.matmul %mul3A_32, %get3A_35, %dot_general3A_36 {dimension_numbers = #tpu.dot_dimension_numbers<[1], [0], [0], [1], [0, 0, 1, 1], [], []>, transpose_lhs_hint = false} : vector<2048x128xf32>, vector<128x64xf32>, vector<2048x64xf32> -> vector<2048x64xf32>
    %get3A_38 = arith.constant 0 : index
    %get3A_39 = arith.constant 0 : index
    %get3A_40 = vector.load %arg8[%get3A_38, %get3A_39] : memref<1x64xf32, #tpu.memory_space<vmem>>, vector<1x64xf32>
    %add3A_41 = vector.broadcast %get3A_40 : vector<1x64xf32> to vector<2048x64xf32>
    %add3A_42 = arith.addf %dot_general3A_37, %add3A_41 : vector<2048x64xf32>
    %max3A_43 = arith.constant 0.000000e+00 : f32
    %max3A_44 = vector.broadcast %max3A_43 : f32 to vector<2048x64xf32>
    %max3A_45 = arith.maximumf %add3A_42, %max3A_44 : vector<2048x64xf32>
    %get3A_46 = arith.constant 0 : index
    %get3A_47 = arith.constant 0 : index
    %get3A_48 = vector.load %arg9[%get3A_46, %get3A_47] : memref<1x64xf32, #tpu.memory_space<vmem>>, vector<1x64xf32>
    %mul3A_49 = vector.broadcast %get3A_48 : vector<1x64xf32> to vector<2048x64xf32>
    %mul3A_50 = arith.mulf %max3A_45, %mul3A_49 : vector<2048x64xf32>
    %reduce_sum3A_51 = arith.constant dense<0.000000e+00> : vector<2048xf32>
    %reduce_sum3A_52 = vector.multi_reduction <add>, %mul3A_50, %reduce_sum3A_51 [1] : vector<2048x64xf32> to vector<2048xf32>
    %get3A_53 = arith.constant 0 : index
    %get3A_54 = arith.constant 0 : index
    %get3A_55 = vector.load %arg10[%get3A_53, %get3A_54] : memref<1x1xf32, #tpu.memory_space<vmem>>, vector<1x1xf32>
    %get3A_56 = vector.extract %get3A_55[0, 0] : f32 from vector<1x1xf32>
    %add3A_57 = vector.broadcast %get3A_56 : f32 to vector<2048xf32>
    %add3A_58 = arith.addf %reduce_sum3A_52, %add3A_57 : vector<2048xf32>
    %swap3A = arith.constant 0 : index
    %swap3A_59 = vector.load %arg11[%swap3A] : memref<2048xf32, #tpu.memory_space<vmem>>, vector<2048xf32>
    tpu.vector_store %arg11[%swap3A], %add3A_58 {strides = array<i32>} : memref<2048xf32, #tpu.memory_space<vmem>>, vector<2048xf32>,
    return
  }
  func.func @transform_0(%arg0: i32) -> (i32, i32) {
    %c0_i32 = arith.constant 0 : i32
    %c0_i32_0 = arith.constant 0 : i32
    return %arg0, %c0_i32 : i32, i32
  }
  func.func @transform_1(%arg0: i32) -> (i32, i32) {
    %c0_i32 = arith.constant 0 : i32
    %c0_i32_0 = arith.constant 0 : i32
    return %arg0, %c0_i32 : i32, i32
  }
  func.func @transform_2(%arg0: i32) -> (i32, i32) {
    %c0_i32 = arith.constant 0 : i32
    %c0_i32_0 = arith.constant 0 : i32
    %c0_i32_1 = arith.constant 0 : i32
    return %c0_i32, %c0_i32_0 : i32, i32
  }
  func.func @transform_3(%arg0: i32) -> (i32, i32) {
    %c0_i32 = arith.constant 0 : i32
    %c0_i32_0 = arith.constant 0 : i32
    %c0_i32_1 = arith.constant 0 : i32
    return %c0_i32, %c0_i32_0 : i32, i32
  }
  func.func @transform_4(%arg0: i32) -> (i32, i32) {
    %c0_i32 = arith.constant 0 : i32
    %c0_i32_0 = arith.constant 0 : i32
    %c0_i32_1 = arith.constant 0 : i32
    return %c0_i32, %c0_i32_0 : i32, i32
  }
  func.func @transform_5(%arg0: i32) -> (i32, i32) {
    %c0_i32 = arith.constant 0 : i32
    %c0_i32_0 = arith.constant 0 : i32
    %c0_i32_1 = arith.constant 0 : i32
    return %c0_i32, %c0_i32_0 : i32, i32
  }
  func.func @transform_6(%arg0: i32) -> (i32, i32) {
    %c0_i32 = arith.constant 0 : i32
    %c0_i32_0 = arith.constant 0 : i32
    %c0_i32_1 = arith.constant 0 : i32
    return %c0_i32, %c0_i32_0 : i32, i32
  }
  func.func @transform_7(%arg0: i32) -> (i32, i32) {
    %c0_i32 = arith.constant 0 : i32
    %c0_i32_0 = arith.constant 0 : i32
    %c0_i32_1 = arith.constant 0 : i32
    return %c0_i32, %c0_i32_0 : i32, i32
  }
  func.func @transform_8(%arg0: i32) -> (i32, i32) {
    %c0_i32 = arith.constant 0 : i32
    %c0_i32_0 = arith.constant 0 : i32
    %c0_i32_1 = arith.constant 0 : i32
    return %c0_i32, %c0_i32_0 : i32, i32
  }
  func.func @transform_9(%arg0: i32) -> (i32, i32) {
    %c0_i32 = arith.constant 0 : i32
    %c0_i32_0 = arith.constant 0 : i32
    %c0_i32_1 = arith.constant 0 : i32
    return %c0_i32, %c0_i32_0 : i32, i32
  }
  func.func @transform_10(%arg0: i32) -> i32 {
    %c0_i32 = arith.constant 0 : i32
    return %arg0 : i32
  }
}

</mosaic_0001>

<sc_bundles>
// kernel: kernel.4.cloned.1.call-start
scs
__scs_entry_jumppad:
0x0: {  	(pc) =	sbr.rel $0x88, $3  }
0x1: {  	(tag) =	ssettag $0x0;
	lr =	simm.s32 $0x1  }
0x2: {  	[smem:$0x3F95] =	sst lr;
	_ =	strace $0xD0000000  }
0x3: {  	_ = 	snop  }
0x4: {  	_ = 	snop  }
0x5: {  	_ = 	snop  }
0x6: {  	_ = 	snop  }
0x7: {  	_ = 	snop  }
__scs_overlays_trampoline_lowered:
0x8: {  	[smem:$0x3FA4] =	sst s0  }
0x9: {  	[smem:$0x3FA5] =	sst s1  }
0xa: {  	[smem:$0x3FA6] =	sst s2  }
0xb: {  	[smem:$0x3FA7] =	sst s3  }
0xc: {  	[smem:$0x3FA8] =	sst s4  }
0xd: {  	[smem:$0x3FA9] =	sst s5  }
0xe: {  	[smem:$0x3FAA] =	sst s6  }
0xf: {  	[smem:$0x3FAB] =	sst s7  }
0x10: {  	[smem:$0x3FAC] =	sst s8  }
0x11: {  	[smem:$0x3FAD] =	sst s9;
	s0 =	simm.s32 @!p0 $0x0  }
0x12: {  	s1 =	sld [smem:$0x3F93];
	s0 =	simm.s32 @p0 $0x1  }
0x13: {  	[smem:$0x3FAE] =	sst s0;
	s0 =	simm.s32 @!p1 $0x0  }
0x14: {  	s2 =	sld [smem:$0x3F92];
	s0 =	simm.s32 @p1 $0x1  }
0x15: {  	[smem:$0x3FAF] =	sst s0;
	s0 =	simm.s32 @!p2 $0x0  }
0x16: {  	s3 =	sld [smem:$0x3FDB];
	s0 =	simm.s32 @p2 $0x1  }
0x17: {  	s4 =	simm.s32 $0x1BF5;
	[smem:$0x3FB1] =	sst s0  }
0x18: {  	s0 =	sld [smem:$0x3F94];
	_ =	swait.ge [sflag:s4], $0x0  }
0x19: {  	s7 =	sld [smem:$0x3F95]  }
0x1a: {  	s8 =	sadd.s32 $0xFFFFE003, lr  }
0x1b: {  	s9 =	sadd.s32 $0xFFFFFEF7, lr;
	s5 =	simm.s32 $0xFFFFFFFF;
	p2 =	slt.u32 s8, $0xFFFFF086  }
0x1c: {  	p1 =	slt.u32 s9, $0xF7A;
	s5 =	simm.s32 @!p2 $0x0  }
0x1d: {  	s5 =	simm.s32 @p1 $0x1;
	p0 =	seq.s32 s7, s2  }
0x1e: {  	s7 =	smul.u32 @!p0 $0xF7A, s2;
	p2 =	seq.s32 @!p0 s5, $0x0  }
0x1f: {  	s9 =	smul.u32 $0xF7A, s1;
	s8 =	simm.s32 @!p0 $0x1BF5;
	p2 =	por !p2, p0  }
0x20: {  	[sflag:s8] =	ssyncset.s32 @!p0 $0xFFFFF086;
	s6 =	sadd.s32 @!p0 s3, s7;
	s7 =	simm.s32 @!p0 $0x108  }
0x21: {  	s3 =	sadd.s32 s3, s9;
	s6 =	sadd.s32 @!p0 $0x88, s6;
	s7 =	simm.s32 @p2 $0x1082  }
0x22: {  	[simem:s7], [sflag:s8] =	dma.local @!p0 [hbm:s6], $0xF7A  }
0x23: {  	s9 =	sor.u32 $0xD0000000, s2;
	s6 =	simm.s32 $0x108;
	_ =	swait.ge @!p0 [sflag:s8], $0x0  }
0x24: {  	s3 =	sadd.s32 $0x88, s3;
	s6 =	simm.s32 @!p1 $0x1082;
	[sflag:s4] =	ssyncset.s32 $0xFFFFF086  }
0x25: {  	[simem:s6], [sflag:s4] =	dma.local [hbm:s3], $0xF7A  }
0x26: {  	[smem:$0x3F95] =	sst s1;
	(tag) =	ssettag s2;
	_ =	strace s9  }
0x27: {  	s1 =	sld [smem:$0x3FA5]  }
0x28: {  	s2 =	sld [smem:$0x3FA6]  }
0x29: {  	s4 =	sld [smem:$0x3FA8]  }
0x2a: {  	p0 =	seq.s32 s5, $0x0;
	s5 =	sld [smem:$0x3FA9]  }
0x2b: {  	s6 =	sld [smem:$0x3FAA]  }
0x2c: {  	s7 =	sld [smem:$0x3FAB]  }
0x2d: {  	s3 =	simm.s32 $0x108;
	s8 =	sld [smem:$0x3FAC]  }
0x2e: {  	s3 =	simm.s32 @!p0 $0x1082;
	s9 =	sld [smem:$0x3FAD]  }
0x2f: {  	lr =	sadd.s32 s0, s3;
	s0 =	sld [smem:$0x3FA4]  }
0x30: {  	s3 =	sld [smem:$0x3FA7]  }
0x31: {  	[smem:$0x3FB0] =	sst s10  }
0x32: {  	s10 =	sld [smem:$0x3FAE];
	_ =	sdelay $0x3  }
0x33: {  	p0 =	seq.s32 s10, $0x1;
	s10 =	sld [smem:$0x3FB0];
	_ =	sdelay $0x3  }
0x34: {  	[smem:$0x3FB0] =	sst s10  }
0x35: {  	s10 =	sld [smem:$0x3FAF];
	_ =	sdelay $0x3  }
0x36: {  	p1 =	seq.s32 s10, $0x1;
	s10 =	sld [smem:$0x3FB0];
	_ =	sdelay $0x3  }
0x37: {  	[smem:$0x3FB0] =	sst s10  }
0x38: {  	s10 =	sld [smem:$0x3FB1]  }
0x39: {  	_ = 	snop;
	(pc) =	sbr.ind lr, $3  }
0x3a: {  	_ = 	snop  }
0x3b: {  	_ = 	snop  }
0x3c: {  	p2 =	seq.s32 s10, $0x1;
	s10 =	sld [smem:$0x3FB0]  }
0x3d: {  	_ =	shalt  }
0x3e: {  	_ =	shalt  }
0x3f: {  	_ =	shalt  }
0x40: {  	_ =	shalt  }
0x41: {  	_ =	shalt  }
0x42: {  	_ =	shalt  }
0x43: {  	_ =	shalt  }
0x44: {  	_ =	shalt  }
0x45: {  	_ =	shalt  }
0x46: {  	_ =	shalt  }
0x47: {  	_ =	shalt  }
0x48: {  	_ =	shalt  }
0x49: {  	_ =	shalt  }
0x4a: {  	_ =	shalt  }
0x4b: {  	_ =	shalt  }
0x4c: {  	_ =	shalt  }
0x4d: {  	_ =	shalt  }
0x4e: {  	_ =	shalt  }
0x4f: {  	_ =	shalt  }
0x50: {  	_ =	shalt  }
0x51: {  	_ =	shalt  }
0x52: {  	_ =	shalt  }
0x53: {  	_ =	shalt  }
0x54: {  	_ =	shalt  }
0x55: {  	_ =	shalt  }
0x56: {  	_ =	shalt  }
0x57: {  	_ =	shalt  }
0x58: {  	_ =	shalt  }
0x59: {  	_ =	shalt  }
0x5a: {  	_ =	shalt  }
0x5b: {  	_ =	shalt  }
0x5c: {  	_ =	shalt  }
0x5d: {  	_ =	shalt  }
0x5e: {  	_ =	shalt  }
0x5f: {  	_ =	shalt  }
0x60: {  	_ =	shalt  }
0x61: {  	_ =	shalt  }
0x62: {  	_ =	shalt  }
0x63: {  	_ =	shalt  }
0x64: {  	_ =	shalt  }
0x65: {  	_ =	shalt  }
0x66: {  	_ =	shalt  }
0x67: {  	_ =	shalt  }
0x68: {  	_ =	shalt  }
0x69: {  	_ =	shalt  }
0x6a: {  	_ =	shalt  }
0x6b: {  	_ =	shalt  }
0x6c: {  	_ =	shalt  }
0x6d: {  	_ =	shalt  }
0x6e: {  	_ =	shalt  }
0x6f: {  	_ =	shalt  }
0x70: {  	_ =	shalt  }
0x71: {  	_ =	shalt  }
0x72: {  	_ =	shalt  }
0x73: {  	_ =	shalt  }
0x74: {  	_ =	shalt  }
0x75: {  	_ =	shalt  }
0x76: {  	_ =	shalt  }
0x77: {  	_ =	shalt  }
0x78: {  	_ =	shalt  }
0x79: {  	_ =	shalt  }
0x7a: {  	_ =	shalt  }
0x7b: {  	_ =	shalt  }
0x7c: {  	_ =	shalt  }
0x7d: {  	_ =	shalt  }
0x7e: {  	_ =	shalt  }
0x7f: {  	_ =	shalt  }
0x80: {  	_ =	shalt  }
0x81: {  	_ =	shalt  }
0x82: {  	_ =	shalt  }
0x83: {  	_ =	shalt  }
0x84: {  	_ =	shalt  }
0x85: {  	_ =	shalt  }
0x86: {  	_ =	shalt  }
0x87: {  	_ =	shalt  }
.Lfunc_end0:
.L_simem_size_0:
called_computation_lowered:
.L_overlay_start_0:
0x88: {  	s2 =	sld [smem:$0x3FD9]  }
0x89: {  	s3 =	sld [smem:$0x3FFE];
	_ =	sdelay $0x1  }
0x8a: {  	s1 =	srdreg.scid  }
0x8b: {  	s0 =	sand.u32 $0x1, s1  }
0x8c: {  	s17 =	sshll.u32 s0, $0xA;
	s2 =	sadd.s32 s3, s2  }
0x8d: {  	s2 =	sadd.s32 s2, s17  }
0x8e: {  	[smem:$0x3FBC] =	sst s2  }
0x8f: {  	_ = 	snop  }
0x90: {  	s2 =	sld [smem:$0x3FC9]  }
0x91: {  	s18 =	sld [smem:$0x3FC8];
	(tm) =	ssettm $0x1  }
0x92: {  	s4 =	sld [smem:$0x3FFB];
	_ =	sdelay $0x3  }
0x93: {  	_ =	strace s4  }
0x94: {  	s4 =	sld [smem:$0x3FFC];
	_ =	sdelay $0x3  }
0x95: {  	_ =	strace s4  }
0x96: {  	s4 =	sld [smem:$0x3FFD];
	_ =	sdelay $0x3  }
0x97: {  	_ =	strace s4  }
0x98: {  	_ =	strace $0x8FFFFFFF  }
0x99: {  	s19 =	sld [smem:$0x3FDB];
	_ =	sdelay $0x1  }
0x9a: {  	s5 =	simm.s32 $_scs_section_size  }
0x9b: {  	s6 =	simm.s32 $_size__tile_overlayer_lowered;
	s7 =	simm.s32 $_tile_overlayer_lowered  }
0x9c: {  	s22 =	simm.s32 $0x1BFF;
	s21 =	sshll.u32 s7, $0x1;
	s4 =	sadd.s32 s5, s19  }
0x9d: {  	s8 =	simm.s32 $0x0;
	s20 =	sshll.u32 s6, $0x1;
	s6 =	sadd.s32 s21, s4  }
0x9e: {  	[timem:s8], [sflag:s22] =	dma.local [hbm:s6], s20  }
0x9f: {  	_ =	swait.ge [sflag:s22], s20  }
0xa0: {  	s5 =	ssub.s32 $0x0, s20;
	[sflag:s22] =	ssyncset.done $0x0  }
0xa1: {  	[sflag:s22] =	ssyncadd.s32 s5;
	_ =	sdelay $0x1  }
0xa2: {  	s23 =	simm.s32 $0x1B8B  }
0xa3: {  	_ =	swait.ge [sflag:s23], $0x1  }
0xa4: {  	[sflag:s23] =	ssyncset.done $0x0  }
0xa5: {  	s25 =	simm.s32 $0x1B8E;
	s24 =	sld [smem:$0x3FFE];
	[sflag:s23] =	ssyncadd.s32 $0xFFFFFFFF  }
0xa6: {  	s26 =	simm.s32 $execute0_lowered;
	[smem:$0x3FD2] =	sst s25  }
0xa7: {  	s6 =	sshll.u32 s26, $0x1;
	_ =	strace $0x80000046;
	[dreg:$0x1] =	wrdreg $0xFFFFFFFF  }
0xa8: {  	s28 =	simm.s32 $_size_execute0_lowered;
	s4 =	sadd.s32 s4, s6;
	[dreg:$0x0] =	wrdreg $0x0  }
0xa9: {  	s6 =	sshll.u32 s28, $0x1;
	[dreg:$0x2] =	wrdreg s4  }
0xaa: {  	[dreg:$0x3] =	wrdreg s6  }
0xab: {  	[dreg:$0x4] =	wrdreg $0xC0  }
0xac: {  	_ =	task [dreg:s8], $0x5FFFF  }
0xad: {  	[dreg:$0x1] =	wrdreg $0xFFFFFFFF  }
0xae: {  	[dreg:$0x0] =	wrdreg $0x60  }
0xaf: {  	[dreg:$0x2] =	wrdreg s2  }
0xb0: {  	[dreg:$0x3] =	wrdreg s18  }
0xb1: {  	[dreg:$0x4] =	wrdreg s24  }
0xb2: {  	[dreg:$0x5] =	wrdreg $0x0  }
0xb3: {  	[dreg:$0x6] =	wrdreg $0x2000  }
0xb4: {  	[dreg:$0x7] =	wrdreg $0x9  }
0xb5: {  	_ =	task.clear_ibuf [dreg:s8], $0x8FFFF;
	_ =	strace $0x90000046  }
0xb6: {  	s29 =	simm.s32 $0x9;
	_ =	strace $0x80000048  }
0xb7: {  	_ =	swait.ge [sflag:s29], $0x1  }
0xb8: {  	[sflag:s29] =	ssyncadd.s32 $0xFFFFFFFF  }
0xb9: {  	_ =	strace $0x90000048  }
0xba: {  	_ =	sfence  }
0xbb: {  	s30 =	sld [smem:$0x0];
	_ =	sdelay $0x2  }
0xbc: {  	s31 =	sshll.u32 s1, $0xD;
	s1 =	sshrl.u32 s1, $0x2  }
0xbd: {  	s3 =	sand.u32 $0x4000, s31;
	s1 =	sadd.s32 s1, s30  }
0xbe: {  	s0 =	sor.u32 s3, s0;
	s1 =	sshll.u32 s1, $0x11  }
0xbf: {  	s0 =	sor.u32 s1, s0  }
0xc0: {  	s0 =	sadd.s32 $0x8F2B, s0  }
0xc1: {  	[sflag:s0] =	ssyncadd.remote.s32 $0x1  }
0xc2: {  	_ =	sfence.sel $0xFFFF  }
0xc3: {  	[dreg:$0x0] =	wrdreg $0xFFFFFFFF;
	(pc) =	sbr.abs _section_cstart, $3  }
0xc4: {  	[dreg:$0x1] =	wrdreg $0xFFFFFFFF  }
0xc5: {  	_ =	task.clear_ibuf [dreg:s8], $0x2FFFF;
	_ =	strace $0x9FFFFFFF  }
0xc6: {  	(tm) =	ssettm $0x7FFFFFFF  }
0xc7: {  	_ =	shalt  }
tec
execute0_lowered:
.L_overlay_start_1:
0x0: {  	(tag) =	ssettag $0x1  }
0x1: {  	s0 =	rddreg [dreg:$0x0]  }
0x2: {  	s1 =	rddreg [dreg:$0x1]  }
0x3: {  	s2 =	rddreg [dreg:$0x2]  }
0x4: {  	s7 =	rddreg [dreg:$0x3]  }
0x5: {  	s8 =	rddreg [dreg:$0x4]  }
0x6: {  	s3 =	simm.s32 $0x0;
	s5 =	srdreg.scid;
	s15 =	stileid.u32  }
0x7: {  	s28 =	simm.s32 $0x0;
	[smem:$0x7FF] =	sst s3;
	s3 =	sadd.s32 $0x1800, s2  }
0x8: {  	s4 =	sadd.s32 $0xF43C00, s2;
	s12 =	sand.u32 $0x1, s5;
	s5 =	sadd.s32 $0x1E86000, s2  }
0x9: {  	s6 =	sadd.s32 $0x1EC6000, s2;
	s10 =	sshll.u32 s15, $0xA;
	s13 =	sshll.u32 s15, $0x9  }
0xa: {  	s14 =	sshll.u32 s15, $0x7;
	s26 =	sshll.u32 s15, $0xE;
	s11 =	sshll.u32 s12, $0x9  }
0xb: {  	_ =	strace $0x80000047;
	s9 =	ssub.s32 $0x2, s12;
	s10 =	sor.u32 s11, s10  }
0xc: {  	s18 =	sand.u32 $0x1000, s13;
	s19 =	sand.u32 $0x380, s14;
	s20 =	sshrl.u32 s10, $0x3  }
0xd: {  	s17 =	sshrl.u32 s9, $0x1;
	s11 =	sor.u32 s19, s18;
	s0 =	sadd.s32 s0, s20  }
0xe: {  	s2 =	ssub.s32 s9, s17;
	s21 =	sadd.s32 s1, s20;
	[dreg:$0x7] =	wrdreg s0  }
0xf: {  	s7 =	sadd.s32 s11, s7;
	s22 =	smax.u32 s2, $0x1;
	[dreg:$0x8] =	wrdreg s21  }
0x10: {  	s29 =	sshll.u32 s12, $0xD;
	s23 =	sadd.s32 $0x400, s7;
	[dreg:$0x9] =	wrdreg s22  }
0x11: {  	s9 =	sshll.u32 s15, $0x6;
	s24 =	sadd.s32 $0x800, s7;
	[dreg:$0xa] =	wrdreg s23  }
0x12: {  	s11 =	sadd.s32 s11, s8;
	s25 =	sadd.s32 $0xC00, s7;
	[dreg:$0xb] =	wrdreg s24  }
0x13: {  	s10 =	sor.u32 $0x1C05, s9;
	s30 =	sadd.s32 $0x400, s11;
	[dreg:$0xc] =	wrdreg s25  }
0x14: {  	s31 =	sadd.s32 $0x800, s11;
	s19 =	sadd.s32 $0xC00, s11;
	[dreg:$0xd] =	wrdreg s30  }
0x15: {  	s20 =	sshrl.u32 s7, $0x3;
	s2 =	simm.s32 $0x2;
	[dreg:$0xe] =	wrdreg s31  }
0x16: {  	s0 =	sor.u32 s29, s26;
	s21 =	simm.s32 $0x80;
	s22 =	simm.s32 $0x10  }
0x17: {  	s23 =	simm.s32 $0x5;
	s24 =	sshrl.u32 s11, $0x3;
	s25 =	simm.s32 $0x3  }
0x18: {  	s26 =	simm.s32 $0x4;
	[dreg:$0x6] =	wrdreg s0;
	s0 =	simm.s32 $0x1  }
.LBB2_1:
0x19: {  	s1 =	rddreg [dreg:$0x7]  }
0x1a: {  	[spmem:s20@s21], [sflag:s10] =	dma.strided [hbm:s1@s22], $0x40, s0, $0x10   }
0x1b: {  	_ =	swait.ge [sflag:s23], $0x40  }
0x1c: {  	[sflag:s23] =	ssyncset.done $0x0  }
0x1d: {  	s16 =	rddreg [dreg:$0x8];
	[sflag:s23] =	ssyncadd.s32 $0xFFFFFFC0  }
0x1e: {  	[spmem:s24@s21], [sflag:s10] =	dma.strided [hbm:s16@s22], $0x40, s0, $0x10   }
0x1f: {  	_ =	swait.ge [sflag:s23], $0x40  }
0x20: {  	[sflag:s23] =	ssyncset.done $0x0  }
0x21: {  	s13 =	simm.s32 $0x0;
	[sflag:s23] =	ssyncadd.s32 $0xFFFFFFC0  }
0x22: {  	[smem:s13], [sflag:$0x5] =	stream.linear.gather [spmem:s7], $0x80, $0x38;
	[tilespmem:$0x400] =	vst v63  }
0x23: {  	s17 =	rddreg [dreg:$0xa]  }
0x24: {  	[smem:s21], [sflag:$0x5] =	stream.linear.gather [spmem:s17], $0x80, $0x38;
	[tilespmem:$0x400] =	vst v63  }
0x25: {  	s8 =	simm.s32 $0x100;
	s1 =	rddreg [dreg:$0xb]  }
0x26: {  	[smem:s8], [sflag:$0x5] =	stream.linear.gather [spmem:s1], $0x80, $0x38;
	[tilespmem:$0x400] =	vst v63  }
0x27: {  	s18 =	simm.s32 $0x180;
	s1 =	rddreg [dreg:$0xc]  }
0x28: {  	[smem:s18], [sflag:$0x5] =	stream.linear.gather [spmem:s1], $0x80, $0x38;
	[tilespmem:$0x400] =	vst v63  }
0x29: {  	_ =	swait.ge [sflag:s23], $0x200  }
0x2a: {  	[sflag:s23] =	ssyncset.done $0x0  }
0x2b: {  	s12 =	simm.s32 $0x200;
	[sflag:s23] =	ssyncadd.s32 $0xFFFFFE00  }
0x2c: {  	[smem:s12], [sflag:$0x5] =	stream.linear.gather [spmem:s11], $0x80, $0x38;
	[tilespmem:$0x400] =	vst v63  }
0x2d: {  	s14 =	simm.s32 $0x280;
	s1 =	rddreg [dreg:$0xd]  }
0x2e: {  	[smem:s14], [sflag:$0x5] =	stream.linear.gather [spmem:s1], $0x80, $0x38;
	[tilespmem:$0x400] =	vst v63  }
0x2f: {  	s15 =	simm.s32 $0x300;
	s1 =	rddreg [dreg:$0xe]  }
0x30: {  	[smem:s15], [sflag:$0x5] =	stream.linear.gather [spmem:s1], $0x80, $0x38;
	[tilespmem:$0x400] =	vst v63  }
0x31: {  	s16 =	simm.s32 $0x380  }
0x32: {  	[smem:s16], [sflag:$0x5] =	stream.linear.gather [spmem:s19], $0x80, $0x38;
	[tilespmem:$0x400] =	vst v63  }
0x33: {  	_ =	swait.ge [sflag:s23], $0x200  }
0x34: {  	[sflag:s23] =	ssyncset.done $0x0  }
0x35: {  	s17 =	rddreg [dreg:$0x6];
	[sflag:s23] =	ssyncadd.s32 $0xFFFFFE00  }
0x36: {  	s18 =	sld [smem:$0x0]  }
0x37: {  	s29 =	sor.u32 $0x1C01, s9;
	s12 =	sld [smem:$0x200]  }
0x38: {  	s30 =	sor.u32 $0x1C02, s9;
	s31 =	sor.u32 $0x1C04, s9;
	s1 =	sadd.s32 $0x0, s17  }
0x39: {  	s13 =	sand.u32 $0x60, s13;
	s1 =	sand.u32 $0x3FF80, s1;
	s8 =	sshll.u32 s18, $0x4  }
0x3a: {  	s1 =	sor.u32 s13, s1;
	s12 =	sshll.u32 s12, $0x4;
	s8 =	sand.u32 $0x1FFFFFF0, s8  }
0x3b: {  	s13 =	sadd.s32 s5, s1;
	s12 =	sand.u32 $0x1FFFFFF0, s12;
	s8 =	sadd.s32 s3, s8  }
0x3c: {  	[hbm:s13], [sflag:s29] =	dma.local [hbm:s8], $0x10  }
0x3d: {  	s14 =	sadd.s32 s6, s1;
	s12 =	sadd.s32 s4, s12;
	s8 =	simm.s32 $0x201  }
0x3e: {  	[hbm:s14], [sflag:s30] =	dma.local [hbm:s12], $0x10  }
0x3f: {  	s13 =	simm.s32 $0x1;
	s12 =	simm.s32 $0x20;
	s16 =	sld [smem:$0x1]  }
0x40: {  	s14 =	sor.u32 $0x10, s1;
	s1 =	sor.u32 $0x1C03, s9;
	s15 =	sld [smem:$0x201]  }
.LBB2_2:
0x41: {  	_ =	sdelay $0x1  }
0x42: {  	s16 =	sshll.u32 s16, $0x4;
	s15 =	sshll.u32 s15, $0x4  }
0x43: {  	s18 =	sadd.s32 s6, s14;
	s16 =	sand.u32 $0x1FFFFFF0, s16;
	s15 =	sand.u32 $0x1FFFFFF0, s15  }
0x44: {  	s14 =	sadd.s32 s5, s14;
	s16 =	sadd.s32 s3, s16;
	s15 =	sadd.s32 s4, s15  }
0x45: {  	[hbm:s14], [sflag:s1] =	dma.local [hbm:s16], $0x10  }
0x46: {  	[hbm:s18], [sflag:s31] =	dma.local [hbm:s15], $0x10  }
0x47: {  	s13 =	sadd.s32 $0x2, s13;
	s14 =	rddreg [dreg:$0x6]  }
0x48: {  	s8 =	sadd.s32 $0x2, s8;
	s16 =	sld [smem:s13+$0xFFFFFFFF]  }
0x49: {  	s17 =	smov.u32 s12;
	s18 =	sld [smem:s8+$0xFFFFFFFF]  }
0x4a: {  	p0 =	sne.s32 s12, $0x1FE0;
	s14 =	sadd.s32 s17, s14  }
0x4b: {  	s17 =	sand.u32 $0x60, s17;
	s14 =	sand.u32 $0x3FF80, s14;
	s15 =	sshll.u32 s16, $0x4  }
0x4c: {  	s14 =	sor.u32 s17, s14;
	s16 =	sshll.u32 s18, $0x4;
	s15 =	sand.u32 $0x1FFFFFF0, s15  }
0x4d: {  	s17 =	sadd.s32 s5, s14;
	s16 =	sand.u32 $0x1FFFFFF0, s16;
	s18 =	sadd.s32 s6, s14  }
.Ltmp0:
0x4e: {  	s15 =	sadd.s32 s3, s15;
	s16 =	sadd.s32 s4, s16;
	(pc) =	sbr.rel @p0 .LBB2_2-.Ltmp0, $4  }
0x4f: {  	[hbm:s17], [sflag:s29] =	dma.local [hbm:s15], $0x10  }
0x50: {  	[hbm:s18], [sflag:s30] =	dma.local [hbm:s16], $0x10  }
0x51: {  	s16 =	sld [smem:s13+$0x0]  }
0x52: {  	s12 =	sadd.s32 $0x20, s12;
	s14 =	sor.u32 $0x10, s14;
	s15 =	sld [smem:s8+$0x0]  }
0x53: {  	_ = 	snop  }
0x54: {  	s8 =	sshll.u32 s16, $0x4  }
0x55: {  	s8 =	sand.u32 $0x1FFFFFF0, s8;
	s12 =	sshll.u32 s15, $0x4  }
0x56: {  	s13 =	sadd.s32 s5, s14;
	s8 =	sadd.s32 s3, s8;
	s12 =	sand.u32 $0x1FFFFFF0, s12  }
0x57: {  	[hbm:s13], [sflag:s1] =	dma.local [hbm:s8], $0x10  }
0x58: {  	s29 =	sadd.s32 s6, s14;
	s30 =	sadd.s32 s4, s12  }
0x59: {  	[hbm:s29], [sflag:s31] =	dma.local [hbm:s30], $0x10  }
0x5a: {  	_ =	swait.ge [sflag:s0], $0x1000  }
0x5b: {  	[sflag:s0] =	ssyncset.done $0x0  }
0x5c: {  	[sflag:s0] =	ssyncadd.s32 $0xFFFFF000  }
0x5d: {  	_ =	swait.ge [sflag:s2], $0x1000  }
0x5e: {  	[sflag:s2] =	ssyncset.done $0x0  }
0x5f: {  	[sflag:s2] =	ssyncadd.s32 $0xFFFFF000  }
0x60: {  	_ =	swait.ge [sflag:s25], $0x1000  }
0x61: {  	[sflag:s25] =	ssyncset.done $0x0  }
0x62: {  	[sflag:s25] =	ssyncadd.s32 $0xFFFFF000  }
0x63: {  	_ =	swait.ge [sflag:s26], $0x1000  }
0x64: {  	s28 =	sadd.s32 $0x1, s28;
	s31 =	rddreg [dreg:$0x9]  }
0x65: {  	p0 =	sne.s32 s28, s31  }
.Ltmp1:
0x66: {  	_ = 	snop;
	(pc) =	sbr.rel @p0 .LBB2_1-.Ltmp1, $3  }
0x67: {  	_ =	sdelay $0x1  }
0x68: {  	[sflag:s26] =	ssyncset.done $0x0  }
0x69: {  	[sflag:s26] =	ssyncadd.s32 $0xFFFFF000  }
0x6a: {  	_ =	sfence.sel $0x180000  }
0x6b: {  	[bflag:$0x0] =	sbarrier.arrive $0xFFFF  }
0x6c: {  	_ =	strace $0x90000047  }
0x6d: {  	s0 =	stileid.u32;
	[bflag:$0x2] =	sbarrier.arrive $0xFFFF  }
0x6e: {  	p0 =	sne.s32 s0, $0x0;
	s0 =	rddreg [dreg:$0x5]  }
0x6f: {  	s0 =	sadd.s32 @!p0 $0x100000, s0  }
0x70: {  	[sflag:s0] =	ssyncadd.tile.s32 @!p0 $0x1;
	_ =	shalt  }
.Lfunc_end2:
_tile_overlayer_lowered:
.L_overlay_start_2:
0x71: {  	(tag) =	ssettag $0x2  }
0x72: {  	s0 =	rddreg [dreg:$0x0];
	s2 =	stileid.u32  }
0x73: {  	s1 =	rddreg [dreg:$0x1];
	p0 =	sne.s32 s2, $0x0  }
0x74: {  	s3 =	rddreg [dreg:$0x2];
	[bflag:$0x3] =	sbarrier.arrive $0xFFFF;
	s2 =	simm.s32 @!p0 $0x1C05  }
0x75: {  	[timem:s3], [sflag:s2] =	dma.local @!p0 [hbm:s0], s1  }
0x76: {  	s0 =	simm.s32 @!p0 $0x5  }
0x77: {  	_ =	swait.ge @!p0 [sflag:s0], s1  }
0x78: {  	s1 =	ssub.s32 @!p0 $0x0, s1;
	[sflag:s0] =	ssyncset.done @!p0 $0x0  }
0x79: {  	[sflag:s0] =	ssyncadd.s32 @!p0 s1  }
0x7a: {  	[bflag:$0x3] =	sbarrier.arrive $0xFFFF  }
0x7b: {  	_ =	shalt  }

</sc_bundles>
